<compile_context>
chip_gen: v7x
topology: tpu7x:2x2x1
jax: 0.10.2.dev20260603
libtpu: 0.0.44.dev20260713+nightly
codegen_flags: <defaults>
</compile_context>

<pallas_src>
import functools

import jax
import jax.numpy as jnp
from jax.experimental import pallas as pl
from jax.experimental.pallas import tpu as pltpu


def _matmul_body(q_ref, c_ref, out_ref):
    q = q_ref[...]
    c = c_ref[...]
    out_ref[...] = jax.lax.dot_general(
        q, c, (((1,), (1,)), ((), ())), preferred_element_type=jnp.float32
    )


def _scores(query_embedding, corpus_padded, bq, bn):
    Q, D = query_embedding.shape
    NP = corpus_padded.shape[0]
    grid = (Q // bq, NP // bn)
    return pl.pallas_call(
        _matmul_body,
        grid=grid,
        in_specs=[
            pl.BlockSpec((bq, D), lambda i, j: (i, 0)),
            pl.BlockSpec((bn, D), lambda i, j: (j, 0)),
        ],
        out_specs=pl.BlockSpec((bq, bn), lambda i, j: (i, j)),
        out_shape=jax.ShapeDtypeStruct((Q, NP), jnp.float32),
    )(query_embedding, corpus_padded)


def kernel(query_embedding, corpus, corpus_id, num_items):
    Q, D = query_embedding.shape
    N = corpus.shape[0]
    NP = ((N + 2047) // 2048) * 2048
    corpus_padded = jnp.pad(corpus, ((0, NP - N), (0, 0)))
    scores = _scores(query_embedding, corpus_padded, 256, 2048)
    scores = scores[:, :N]
    top_scores, indices = jax.lax.top_k(scores, 100)
    item_ids = jnp.take(corpus_id, indices)
    embeddings = jnp.take(corpus, indices, axis=0)
    return (item_ids, top_scores, embeddings)

# --- scband reference (transcript-rebuilt; emitter-appended) ---
"""Pipeline reference for scband-two-tower-base-retrieval-34514357191022 (READ-ONLY COPY).

The authoritative reference and input builder live on the scoring server;
editing this copy changes nothing except your own understanding.
"""

import jax, jax.numpy as jnp
import numpy as np


def setup_inputs(seed: int = 0) -> dict:
    key = jax.random.key(seed)
    k1, k2 = jax.random.split(key)
    query_embedding = jax.random.normal(k1, (1024, 128), dtype=jnp.float32)
    corpus = jax.random.normal(k2, (100000, 128), dtype=jnp.float32)
    corpus_id = jnp.arange(100000, dtype=jnp.int32)
    return {
        "query_embedding": query_embedding,
        "corpus": corpus,
        "corpus_id": corpus_id,
        "num_items": 100,
    }


def reference(query_embedding, corpus, corpus_id, num_items):
    # SearchTopK_InnerProduct.forward: inner-product scores, top-k, gather ids + embeddings
    scores = jnp.matmul(query_embedding, corpus.T)  # [Q, K]
    scores = scores + jnp.zeros((), dtype=scores.dtype) * num_items
    InProd_scores, indices = jax.lax.top_k(scores, 100)  # [Q, k]
    item_ids = jnp.take(corpus_id, indices)  # [Q, k]
    embeddings = jnp.take(corpus, indices, axis=0)  # [Q, k, d]
    return (item_ids, InProd_scores, embeddings)

if __name__ == "__main__":
    import jax
    _d = setup_inputs()
    print(jax.jit(kernel)(*tuple(_d.values())))

</pallas_src>

<mosaic_0001>
module attributes {stable_mosaic.version = 14 : i64} {
  func.func @_matmul_body(%arg0: i32, %arg1: i32, %arg2: memref<256x128xf32, #tpu.memory_space<vmem>>, %arg3: memref<2048x128xf32, #tpu.memory_space<vmem>>, %arg4: memref<256x2048xf32, #tpu.memory_space<vmem>>) attributes {dimension_semantics = [#tpu.dimension_semantics<arbitrary>, #tpu.dimension_semantics<arbitrary>], iteration_bounds = array<i64: 4, 49>, scalar_prefetch = 0 : i64, scratch_operands = 0 : i64, tpu.core_type = #tpu.core_type<tc>, window_params = [{transform_indices = @transform_0, window_bounds = array<i64: 256, 128>}, {transform_indices = @transform_1, window_bounds = array<i64: 2048, 128>}, {transform_indices = @transform_2, window_bounds = array<i64: 256, 2048>}]} {
    %get3A = arith.constant 0 : index
    %get3A_0 = arith.constant 0 : index
    %get3A_1 = vector.load %arg2[%get3A, %get3A_0] : memref<256x128xf32, #tpu.memory_space<vmem>>, vector<256x128xf32>
    %get3A_2 = arith.constant 0 : index
    %get3A_3 = arith.constant 0 : index
    %get3A_4 = vector.load %arg3[%get3A_2, %get3A_3] : memref<2048x128xf32, #tpu.memory_space<vmem>>, vector<2048x128xf32>
    %dot_general3A = arith.constant dense<0.000000e+00> : vector<256x2048xf32>
    %dot_general3A_5 = tpu.matmul %get3A_1, %get3A_4, %dot_general3A {dimension_numbers = #tpu.dot_dimension_numbers<[1], [1], [0], [0], [0, 0, 1, 0], [], []>, transpose_lhs_hint = false} : vector<256x128xf32>, vector<2048x128xf32>, vector<256x2048xf32> -> vector<256x2048xf32>
    %swap3A = arith.constant 0 : index
    %swap3A_6 = arith.constant 0 : index
    %swap3A_7 = vector.load %arg4[%swap3A, %swap3A_6] : memref<256x2048xf32, #tpu.memory_space<vmem>>, vector<256x2048xf32>
    tpu.vector_store %arg4[%swap3A, %swap3A_6], %dot_general3A_5 {strides = array<i32>} : memref<256x2048xf32, #tpu.memory_space<vmem>>, vector<256x2048xf32>,
    return
  }
  func.func @transform_0(%arg0: i32, %arg1: i32) -> (i32, i32) {
    %c0_i32 = arith.constant 0 : i32
    %c0_i32_0 = arith.constant 0 : i32
    return %arg0, %c0_i32 : i32, i32
  }
  func.func @transform_1(%arg0: i32, %arg1: i32) -> (i32, i32) {
    %c0_i32 = arith.constant 0 : i32
    %c0_i32_0 = arith.constant 0 : i32
    return %arg1, %c0_i32 : i32, i32
  }
  func.func @transform_2(%arg0: i32, %arg1: i32) -> (i32, i32) {
    %c0_i32 = arith.constant 0 : i32
    return %arg0, %arg1 : i32, i32
  }
}

</mosaic_0001>

<sc_bundles>
// kernel: gather_offload_async_start.1
scs
__scs_entry_jumppad:
0x0: {  	(pc) =	sbr.rel $0x88, $3  }
0x1: {  	(tag) =	ssettag $0x0;
	lr =	simm.s32 $0x1  }
0x2: {  	[smem:$0x3F9E] =	sst lr;
	_ =	strace $0xD0000000  }
0x3: {  	_ = 	snop  }
0x4: {  	_ = 	snop  }
0x5: {  	_ = 	snop  }
0x6: {  	_ = 	snop  }
0x7: {  	_ = 	snop  }
__scs_overlays_trampoline_lowered:
0x8: {  	[smem:$0x3FAD] =	sst s0  }
0x9: {  	[smem:$0x3FAE] =	sst s1  }
0xa: {  	[smem:$0x3FAF] =	sst s2  }
0xb: {  	[smem:$0x3FB0] =	sst s3  }
0xc: {  	[smem:$0x3FB1] =	sst s4  }
0xd: {  	[smem:$0x3FB2] =	sst s5  }
0xe: {  	[smem:$0x3FB3] =	sst s6  }
0xf: {  	[smem:$0x3FB4] =	sst s7  }
0x10: {  	[smem:$0x3FB5] =	sst s8  }
0x11: {  	[smem:$0x3FB6] =	sst s9;
	s0 =	simm.s32 @!p0 $0x0  }
0x12: {  	s1 =	sld [smem:$0x3F9C];
	s0 =	simm.s32 @p0 $0x1  }
0x13: {  	[smem:$0x3FB7] =	sst s0;
	s0 =	simm.s32 @!p1 $0x0  }
0x14: {  	s2 =	sld [smem:$0x3F9B];
	s0 =	simm.s32 @p1 $0x1  }
0x15: {  	[smem:$0x3FB8] =	sst s0;
	s0 =	simm.s32 @!p2 $0x0  }
0x16: {  	s3 =	sld [smem:$0x3FDB];
	s0 =	simm.s32 @p2 $0x1  }
0x17: {  	s4 =	simm.s32 $0x1BF5;
	[smem:$0x3FBA] =	sst s0  }
0x18: {  	s0 =	sld [smem:$0x3F9D];
	_ =	swait.ge [sflag:s4], $0x0  }
0x19: {  	s7 =	sld [smem:$0x3F9E]  }
0x1a: {  	s8 =	sadd.s32 $0xFFFFE003, lr  }
0x1b: {  	s9 =	sadd.s32 $0xFFFFFEF7, lr;
	s5 =	simm.s32 $0xFFFFFFFF;
	p2 =	slt.u32 s8, $0xFFFFF086  }
0x1c: {  	p1 =	slt.u32 s9, $0xF7A;
	s5 =	simm.s32 @!p2 $0x0  }
0x1d: {  	s5 =	simm.s32 @p1 $0x1;
	p0 =	seq.s32 s7, s2  }
0x1e: {  	s7 =	smul.u32 @!p0 $0xF7A, s2;
	p2 =	seq.s32 @!p0 s5, $0x0  }
0x1f: {  	s9 =	smul.u32 $0xF7A, s1;
	s8 =	simm.s32 @!p0 $0x1BF5;
	p2 =	por !p2, p0  }
0x20: {  	[sflag:s8] =	ssyncset.s32 @!p0 $0xFFFFF086;
	s6 =	sadd.s32 @!p0 s3, s7;
	s7 =	simm.s32 @!p0 $0x108  }
0x21: {  	s3 =	sadd.s32 s3, s9;
	s6 =	sadd.s32 @!p0 $0x88, s6;
	s7 =	simm.s32 @p2 $0x1082  }
0x22: {  	[simem:s7], [sflag:s8] =	dma.local @!p0 [hbm:s6], $0xF7A  }
0x23: {  	s9 =	sor.u32 $0xD0000000, s2;
	s6 =	simm.s32 $0x108;
	_ =	swait.ge @!p0 [sflag:s8], $0x0  }
0x24: {  	s3 =	sadd.s32 $0x88, s3;
	s6 =	simm.s32 @!p1 $0x1082;
	[sflag:s4] =	ssyncset.s32 $0xFFFFF086  }
0x25: {  	[simem:s6], [sflag:s4] =	dma.local [hbm:s3], $0xF7A  }
0x26: {  	[smem:$0x3F9E] =	sst s1;
	(tag) =	ssettag s2;
	_ =	strace s9  }
0x27: {  	s1 =	sld [smem:$0x3FAE]  }
0x28: {  	s2 =	sld [smem:$0x3FAF]  }
0x29: {  	s4 =	sld [smem:$0x3FB1]  }
0x2a: {  	p0 =	seq.s32 s5, $0x0;
	s5 =	sld [smem:$0x3FB2]  }
0x2b: {  	s6 =	sld [smem:$0x3FB3]  }
0x2c: {  	s7 =	sld [smem:$0x3FB4]  }
0x2d: {  	s3 =	simm.s32 $0x108;
	s8 =	sld [smem:$0x3FB5]  }
0x2e: {  	s3 =	simm.s32 @!p0 $0x1082;
	s9 =	sld [smem:$0x3FB6]  }
0x2f: {  	lr =	sadd.s32 s0, s3;
	s0 =	sld [smem:$0x3FAD]  }
0x30: {  	s3 =	sld [smem:$0x3FB0]  }
0x31: {  	[smem:$0x3FB9] =	sst s10  }
0x32: {  	s10 =	sld [smem:$0x3FB7];
	_ =	sdelay $0x3  }
0x33: {  	p0 =	seq.s32 s10, $0x1;
	s10 =	sld [smem:$0x3FB9];
	_ =	sdelay $0x3  }
0x34: {  	[smem:$0x3FB9] =	sst s10  }
0x35: {  	s10 =	sld [smem:$0x3FB8];
	_ =	sdelay $0x3  }
0x36: {  	p1 =	seq.s32 s10, $0x1;
	s10 =	sld [smem:$0x3FB9];
	_ =	sdelay $0x3  }
0x37: {  	[smem:$0x3FB9] =	sst s10  }
0x38: {  	s10 =	sld [smem:$0x3FBA]  }
0x39: {  	_ = 	snop;
	(pc) =	sbr.ind lr, $3  }
0x3a: {  	_ = 	snop  }
0x3b: {  	_ = 	snop  }
0x3c: {  	p2 =	seq.s32 s10, $0x1;
	s10 =	sld [smem:$0x3FB9]  }
0x3d: {  	_ =	shalt  }
0x3e: {  	_ =	shalt  }
0x3f: {  	_ =	shalt  }
0x40: {  	_ =	shalt  }
0x41: {  	_ =	shalt  }
0x42: {  	_ =	shalt  }
0x43: {  	_ =	shalt  }
0x44: {  	_ =	shalt  }
0x45: {  	_ =	shalt  }
0x46: {  	_ =	shalt  }
0x47: {  	_ =	shalt  }
0x48: {  	_ =	shalt  }
0x49: {  	_ =	shalt  }
0x4a: {  	_ =	shalt  }
0x4b: {  	_ =	shalt  }
0x4c: {  	_ =	shalt  }
0x4d: {  	_ =	shalt  }
0x4e: {  	_ =	shalt  }
0x4f: {  	_ =	shalt  }
0x50: {  	_ =	shalt  }
0x51: {  	_ =	shalt  }
0x52: {  	_ =	shalt  }
0x53: {  	_ =	shalt  }
0x54: {  	_ =	shalt  }
0x55: {  	_ =	shalt  }
0x56: {  	_ =	shalt  }
0x57: {  	_ =	shalt  }
0x58: {  	_ =	shalt  }
0x59: {  	_ =	shalt  }
0x5a: {  	_ =	shalt  }
0x5b: {  	_ =	shalt  }
0x5c: {  	_ =	shalt  }
0x5d: {  	_ =	shalt  }
0x5e: {  	_ =	shalt  }
0x5f: {  	_ =	shalt  }
0x60: {  	_ =	shalt  }
0x61: {  	_ =	shalt  }
0x62: {  	_ =	shalt  }
0x63: {  	_ =	shalt  }
0x64: {  	_ =	shalt  }
0x65: {  	_ =	shalt  }
0x66: {  	_ =	shalt  }
0x67: {  	_ =	shalt  }
0x68: {  	_ =	shalt  }
0x69: {  	_ =	shalt  }
0x6a: {  	_ =	shalt  }
0x6b: {  	_ =	shalt  }
0x6c: {  	_ =	shalt  }
0x6d: {  	_ =	shalt  }
0x6e: {  	_ =	shalt  }
0x6f: {  	_ =	shalt  }
0x70: {  	_ =	shalt  }
0x71: {  	_ =	shalt  }
0x72: {  	_ =	shalt  }
0x73: {  	_ =	shalt  }
0x74: {  	_ =	shalt  }
0x75: {  	_ =	shalt  }
0x76: {  	_ =	shalt  }
0x77: {  	_ =	shalt  }
0x78: {  	_ =	shalt  }
0x79: {  	_ =	shalt  }
0x7a: {  	_ =	shalt  }
0x7b: {  	_ =	shalt  }
0x7c: {  	_ =	shalt  }
0x7d: {  	_ =	shalt  }
0x7e: {  	_ =	shalt  }
0x7f: {  	_ =	shalt  }
0x80: {  	_ =	shalt  }
0x81: {  	_ =	shalt  }
0x82: {  	_ =	shalt  }
0x83: {  	_ =	shalt  }
0x84: {  	_ =	shalt  }
0x85: {  	_ =	shalt  }
0x86: {  	_ =	shalt  }
0x87: {  	_ =	shalt  }
.Lfunc_end0:
.L_simem_size_0:
called_computation.2_lowered:
.L_overlay_start_0:
0x88: {  	s2 =	sld [smem:$0x3FD9]  }
0x89: {  	s3 =	sld [smem:$0x3FFE];
	_ =	sdelay $0x1  }
0x8a: {  	s1 =	srdreg.scid  }
0x8b: {  	s0 =	sand.u32 $0x1, s1  }
0x8c: {  	s16 =	sshll.u32 s0, $0xA;
	s2 =	sadd.s32 s3, s2  }
0x8d: {  	s2 =	sadd.s32 s2, s16  }
0x8e: {  	[smem:$0x3FC5] =	sst s2  }
0x8f: {  	_ = 	snop  }
0x90: {  	s17 =	sld [smem:$0x3FD0];
	_ =	sdelay $0x2  }
0x91: {  	s5 =	simm.s32 $0xB;
	s4 =	simm.s32 $0x10;
	s2 =	sld [smem:$0x3FC8]  }
0x92: {  	[smem:s4], [sflag:s5] =	dma.local [hbm:s17], $0x1  }
0x93: {  	_ =	swait.eq [sflag:s5], $0x1  }
0x94: {  	[sflag:s5] =	ssyncset.done $0x0  }
0x95: {  	s18 =	sld [smem:$0x11];
	[sflag:s5] =	ssyncadd.s32 $0xFFFFFFFF  }
0x96: {  	s19 =	sld [smem:$0x12];
	(tm) =	ssettm $0x1  }
0x97: {  	s20 =	sld [smem:$0x3FFB];
	_ =	sdelay $0x3  }
0x98: {  	_ =	strace s20  }
0x99: {  	s3 =	sld [smem:$0x3FFC];
	_ =	sdelay $0x3  }
0x9a: {  	_ =	strace s3  }
0x9b: {  	s3 =	sld [smem:$0x3FFD];
	_ =	sdelay $0x3  }
0x9c: {  	_ =	strace s3  }
0x9d: {  	_ =	strace $0x8FFFFFFF  }
0x9e: {  	s21 =	sld [smem:$0x3FDB];
	_ =	sdelay $0x1  }
0x9f: {  	s6 =	simm.s32 $_scs_section_size  }
0xa0: {  	s7 =	simm.s32 $_size__tile_overlayer_lowered;
	s8 =	simm.s32 $_tile_overlayer_lowered  }
0xa1: {  	s9 =	simm.s32 $0x1BFF;
	s22 =	sshll.u32 s8, $0x1;
	s6 =	sadd.s32 s6, s21  }
0xa2: {  	s23 =	simm.s32 $0x0;
	s7 =	sshll.u32 s7, $0x1;
	s8 =	sadd.s32 s22, s6  }
0xa3: {  	[timem:s23], [sflag:s9] =	dma.local [hbm:s8], s7  }
0xa4: {  	_ =	swait.ge [sflag:s9], s7  }
0xa5: {  	s7 =	ssub.s32 $0x0, s7;
	[sflag:s9] =	ssyncset.done $0x0  }
0xa6: {  	[sflag:s9] =	ssyncadd.s32 s7;
	_ =	sdelay $0x1  }
0xa7: {  	s24 =	simm.s32 $0x1B8B  }
0xa8: {  	_ =	swait.ge [sflag:s24], $0x1  }
0xa9: {  	[sflag:s24] =	ssyncset.done $0x0  }
0xaa: {  	[sflag:s24] =	ssyncadd.s32 $0xFFFFFFFF  }
0xab: {  	s7 =	sld [smem:$0x0]  }
0xac: {  	s8 =	sand.u32 $0xFFFFFFFE, s1  }
0xad: {  	p0 =	sne.s32 s1, s8  }
0xae: {  	s8 =	sshll.u32 @p0 s8, $0xE  }
0xaf: {  	s8 =	sadd.s32 @p0 $0x11B8D, s8;
	s9 =	sshll.u32 @p0 s7, $0x11  }
0xb0: {  	s8 =	sor.u32 @p0 s9, s8  }
0xb1: {  	[sflag:s8] =	ssyncadd.remote.s32 @p0 $0x1;
	_ =	sdelay $0x1  }
0xb2: {  	s8 =	simm.s32 @p0 $0x1B8D  }
0xb3: {  	_ =	swait.eq @p0 [sflag:s8], $0x1  }
0xb4: {  	[sflag:s8] =	ssyncadd.s32 @p0 $0xFFFFFFFF  }
0xb5: {  	s9 =	sshll.u32 @!p0 s1, $0xE  }
0xb6: {  	s9 =	sor.u32 @!p0 $0x4000, s9;
	s8 =	simm.s32 @!p0 $0x1B8D  }
0xb7: {  	s7 =	sshll.u32 @!p0 s7, $0x11;
	s9 =	sadd.s32 @!p0 $0x11B8D, s9;
	_ =	swait.eq @!p0 [sflag:s8], $0x1  }
0xb8: {  	s7 =	sor.u32 @!p0 s7, s9;
	[sflag:s8] =	ssyncadd.s32 @!p0 $0xFFFFFFFF  }
0xb9: {  	s25 =	simm.s32 $0x1B8E;
	[sflag:s7] =	ssyncadd.remote.s32 @!p0 $0x1  }
0xba: {  	s26 =	simm.s32 $execute0_lowered;
	[smem:$0x3FD2] =	sst s25  }
0xbb: {  	s7 =	sshll.u32 s26, $0x1;
	_ =	strace $0x80000049;
	[dreg:$0x1] =	wrdreg $0xFFFFFFFF  }
0xbc: {  	s28 =	simm.s32 $_size_execute0_lowered;
	s6 =	sadd.s32 s6, s7;
	[dreg:$0x0] =	wrdreg $0x0  }
0xbd: {  	s7 =	sshll.u32 s28, $0x1;
	[dreg:$0x2] =	wrdreg s6  }
0xbe: {  	[dreg:$0x3] =	wrdreg s7  }
0xbf: {  	[dreg:$0x4] =	wrdreg $0xC0  }
0xc0: {  	_ =	task [dreg:s23], $0x5FFFF  }
0xc1: {  	[dreg:$0x1] =	wrdreg $0xFFFFFFFF  }
0xc2: {  	[dreg:$0x0] =	wrdreg $0x60  }
0xc3: {  	[dreg:$0x2] =	wrdreg s2  }
0xc4: {  	[dreg:$0x3] =	wrdreg s18  }
0xc5: {  	[dreg:$0x4] =	wrdreg s19  }
0xc6: {  	[dreg:$0x5] =	wrdreg $0xA  }
0xc7: {  	_ =	task.clear_ibuf [dreg:s23], $0x6FFFF;
	_ =	strace $0x90000049  }
0xc8: {  	s29 =	simm.s32 $0xA;
	_ =	strace $0x8000004B  }
0xc9: {  	_ =	swait.ge [sflag:s29], $0x1  }
0xca: {  	[sflag:s29] =	ssyncadd.s32 $0xFFFFFFFF  }
0xcb: {  	_ =	strace $0x9000004B  }
0xcc: {  	_ =	sfence  }
0xcd: {  	s30 =	sld [smem:$0x0];
	_ =	sdelay $0x2  }
0xce: {  	s31 =	sshll.u32 s1, $0xD;
	s1 =	sshrl.u32 s1, $0x2  }
0xcf: {  	s4 =	sand.u32 $0x4000, s31;
	s1 =	sadd.s32 s1, s30  }
0xd0: {  	s0 =	sor.u32 s4, s0;
	s1 =	sshll.u32 s1, $0x11  }
0xd1: {  	s0 =	sor.u32 s1, s0  }
0xd2: {  	s0 =	sadd.s32 $0x8F2B, s0  }
0xd3: {  	[sflag:s0] =	ssyncadd.remote.s32 $0x1  }
0xd4: {  	_ =	sfence.sel $0xFFFF  }
0xd5: {  	[dreg:$0x0] =	wrdreg $0xFFFFFFFF;
	(pc) =	sbr.abs _section_cstart, $3  }
0xd6: {  	[dreg:$0x1] =	wrdreg $0xFFFFFFFF  }
0xd7: {  	_ =	task.clear_ibuf [dreg:s23], $0x2FFFF;
	_ =	strace $0x9FFFFFFF  }
0xd8: {  	(tm) =	ssettm $0x7FFFFFFF  }
0xd9: {  	_ =	shalt  }
tec
execute0_lowered:
.L_overlay_start_1:
0x0: {  	(tag) =	ssettag $0x1  }
0x1: {  	s2 =	rddreg [dreg:$0x0]  }
0x2: {  	s3 =	rddreg [dreg:$0x1];
	s0 =	srdreg.scid  }
0x3: {  	s4 =	rddreg [dreg:$0x2];
	s1 =	stileid.u32  }
0x4: {  	s5 =	sshll.u32 s0, $0x4;
	s0 =	rddreg [dreg:$0x3];
	_ =	strace $0x8000004A  }
.Ltmp0:
0x5: {  	s6 =	sand.u32 $0x10, s5;
	s5 =	simm.s32 $0x1;
	(pc) =	sbr.rel .LBB2_1-.Ltmp0, $4  }
0x6: {  	s7 =	simm.s32 $0x2;
	s6 =	sor.u32 s1, s6;
	[sflag:s5] =	ssyncpa.u1 $0x0  }
0x7: {  	s9 =	simm.s32 $0x3;
	s6 =	smul.u32 $0xC80, s6;
	[sflag:s7] =	ssyncpa.u1 $0x0  }
0x8: {  	s11 =	simm.s32 $0x0;
	p0 =	por $0x0, $0x0;
	[sflag:s9] =	ssyncpa.u1 $0x0  }
0x9: {  	vm0 =	vmmov $0xff;
	vm1 =	vcmask $0x3F20;
	s9 =	simm.s32 $0x0;
	s8 =	sadd.s32 $0xC80, s6;
	s10 =	smov.u32 s6  }
.LBB2_6:
0xa: {  	[hbm:s15] =	stream.linear.scatter [tilespmem:s12], [sflag:$0x3], $0x400, $0x38;
	[tilespmem:$0x14280] =	vst v63  }
.LBB2_7:
0xb: {  	p1 =	slt.u32 s9, $0x2;
	s11 =	sadd.s32 $0x140, s10  }
0xc: {  	s13 =	smov.u32 s6;
	s9 =	sadd.s32 $0x1, s9;
	p2 =	slt.s32 s11, s8  }
0xd: {  	s13 =	smov.u32 @p2 s11;
	p2 =	sne.s32 s9, $0xC  }
.Ltmp1:
0xe: {  	_ = 	snop;
	(pc) =	sbr.rel @!p2 .LBB2_8-.Ltmp1, $4  }
0xf: {  	s12 =	simm.s32 @!p1 $0x3  }
0x10: {  	_ =	swait.ge @!p1 [sflag:s12], $0xA000  }
0x11: {  	p0 =	por !p0, !p0;
	[sflag:s12] =	ssyncset.done @!p1 $0x0  }
0x12: {  	s11 =	smov.u32 s10;
	s10 =	smov.u32 s13;
	[sflag:s12] =	ssyncadd.s32 @!p1 $0xFFFF6000  }
.LBB2_1:
0x13: {  	p1 =	sgt.u32 s9, $0x9  }
0x14: {  	s12 =	sxor.u32 @!p1 $0xFFFFFFFF, s9  }
0x15: {  	s12 =	sand.u32 @!p1 $0x1, s12  }
0x16: {  	s12 =	smul.u32 @!p1 $0x500, s12  }
0x17: {  	s31 =	sadd.s32 $0xFFFFFFFF, s9;
	s13 =	sshrl.u32 @!p1 s10, $0x3  }
0x18: {  	s14 =	sand.u32 @!p1 $0x7, s10;
	s13 =	sadd.s32 @!p1 s3, s13;
	s12 =	sshrl.u32 @!p1 s12, $0x2  }
0x19: {  	[tilespmem:s12], [sflag:$0x2] =	stream.linear.gather @!p1 [hbm4b:s13+s14], $0x140, $0x38;
	[tilespmem:$0x14280] =	vst v63  }
0x1a: {  	p1 =	sgt.u32 s31, $0x9  }
.Ltmp2:
0x1b: {  	_ = 	snop;
	(pc) =	sbr.rel @p1 .LBB2_7-.Ltmp2, $1  }
0x1c: {  	_ =	sdelay $0x3  }
0x1d: {  	s12 =	simm.s32 $0x1  }
0x1e: {  	s12 =	simm.s32 @!p0 $0x0  }
0x1f: {  	s13 =	smul.u32 $0x500, s12  }
0x20: {  	_ =	swait.ge [sflag:s7], $0x140  }
0x21: {  	[sflag:s7] =	ssyncset.done $0x0;
	s14 =	sshrl.u32 s13, $0x2  }
0x22: {  	[sflag:s7] =	ssyncadd.s32 $0xFFFFFEC0;
	s13 =	sadd.s32 $0x0, s14  }
0x23: {  	v0 =	vld.msk [tilespmem:s13+$0x0 ss:$0x1], $0xffff;
	_ =	sdelay $0x4  }
0x24: {  	vm2 =	vgt.s32 v0, $0x0  }
0x25: {  	v0 =	vnsel vm2, $0x0, v0  }
0x26: {  	v0 =	vmin.u32 v0, $0x1869F  }
0x27: {  	v0 =	vshll.u32 v0, $0x4  }
0x28: {  	s12 =	smul.u32 $0x28000, s12;
	_ =	sdelay $0x1  }
0x29: {  	s12 =	sshrl.u32 s12, $0x2  }
0x2a: {  	s12 =	sor.u32 $0x280, s12  }
0x2b: {  	[tilespmem:s12], [sflag:$0x1] =	stream.indirect_vreg.gather [hbm:s2], $0x80, v0, vm0, $0x38;
	[tilespmem:$0x14280] =	vst v63  }
0x2c: {  	s15 =	sadd.s32 $0x10, s14;
	s13 =	sadd.s32 $0x400, s12  }
0x2d: {  	[tilespmem:s13], [sflag:$0x1] =	stream.indirect_vreg.gather [hbm:s2], $0x80, v0, vm1, $0x38;
	[tilespmem:$0x14280] =	vst v63  }
0x2e: {  	s16 =	simm.s32 $0x80;
	v0 =	vld.msk [tilespmem:s15+$0x0 ss:$0x1], $0xffff;
	s15 =	smov.u32 s12  }
.LBB2_3:
0x2f: {  	p1 =	sne.s32 s16, $0x4C0;
	_ =	sdelay $0x4  }
0x30: {  	vm2 =	vgt.s32 v0, $0x0  }
0x31: {  	v0 =	vnsel vm2, $0x0, v0  }
0x32: {  	v0 =	vmin.u32 v0, $0x1869F  }
0x33: {  	v0 =	vshll.u32 v0, $0x4;
	_ =	sdelay $0x3  }
.Ltmp3:
0x34: {  	s17 =	sshra.s32 s16, $0x2;
	s15 =	sadd.s32 $0x800, s15;
	(pc) =	sbr.rel @p1 .LBB2_3-.Ltmp3, $4  }
0x35: {  	[tilespmem:s15], [sflag:$0x1] =	stream.indirect_vreg.gather [hbm:s2], $0x80, v0, vm0, $0x38;
	[tilespmem:$0x14280] =	vst v63  }
0x36: {  	s17 =	sadd.s32 s17, s14;
	s18 =	sadd.s32 $0x400, s15  }
0x37: {  	[tilespmem:s18], [sflag:$0x1] =	stream.indirect_vreg.gather [hbm:s2], $0x80, v0, vm1, $0x38;
	[tilespmem:$0x14280] =	vst v63  }
0x38: {  	s16 =	sadd.s32 $0x40, s16;
	v0 =	vld.msk [tilespmem:s17+$0x0 ss:$0x1], $0xffff  }
0x39: {  	_ =	sdelay $0x3  }
0x3a: {  	vm2 =	vgt.s32 v0, $0x0  }
0x3b: {  	v0 =	vnsel vm2, $0x0, v0  }
0x3c: {  	v0 =	vmin.u32 v0, $0x1869F  }
0x3d: {  	v0 =	vshll.u32 v0, $0x4;
	_ =	sdelay $0x3  }
0x3e: {  	s14 =	sadd.s32 $0x800, s15  }
0x3f: {  	[tilespmem:s14], [sflag:$0x1] =	stream.indirect_vreg.gather [hbm:s2], $0x80, v0, vm0, $0x38;
	[tilespmem:$0x14280] =	vst v63  }
0x40: {  	s14 =	sadd.s32 $0x400, s14  }
0x41: {  	[tilespmem:s14], [sflag:$0x1] =	stream.indirect_vreg.gather [hbm:s2], $0x80, v0, vm1, $0x38;
	[tilespmem:$0x14280] =	vst v63  }
0x42: {  	s11 =	sshll.u32 s11, $0x4;
	_ =	swait.ge [sflag:s5], $0xA000  }
0x43: {  	s11 =	sadd.s32 s11, s4;
	[sflag:s5] =	ssyncset.done $0x0  }
0x44: {  	s15 =	sadd.s32 $0x0, s11;
	s14 =	simm.s32 $0x80;
	[sflag:s5] =	ssyncadd.s32 $0xFFFF6000  }
.LBB2_5:
0x45: {  	[hbm:s15] =	stream.linear.scatter [tilespmem:s12], [sflag:$0x3], $0x400, $0x38;
	[tilespmem:$0x14280] =	vst v63  }
0x46: {  	s15 =	smov.u32 s14;
	s12 =	smov.u32 s13;
	p1 =	sne.s32 s14, $0x1380  }
.Ltmp4:
0x47: {  	s14 =	sadd.s32 $0x80, s14;
	(pc) =	sbr.rel @p1 .LBB2_5-.Ltmp4, $2  }
0x48: {  	_ =	sdelay $0x2  }
0x49: {  	s13 =	sadd.s32 $0x400, s13;
	s15 =	sadd.s32 s15, s11  }
.Ltmp5:
0x4a: {  	_ = 	snop;
	(pc) =	sbr.rel .LBB2_6-.Ltmp5, $1  }
0x4b: {  	_ =	sdelay $0x3  }
.LBB2_8:
0x4c: {  	_ =	sfence.sel $0x180000  }
0x4d: {  	s2 =	simm.s32 $0x2;
	[bflag:$0x0] =	sbarrier.arrive $0xFFFF  }
0x4e: {  	s30 =	simm.s32 $0x3;
	[sflag:s2] =	ssyncpa.u1 $0x1  }
0x4f: {  	s31 =	simm.s32 $0x1;
	[sflag:s30] =	ssyncpa.u1 $0x1  }
0x50: {  	[sflag:s31] =	ssyncpa.u1 $0x1  }
0x51: {  	p0 =	sne.s32 s1, $0x0;
	_ =	strace $0x9000004A  }
0x52: {  	s0 =	sadd.s32 @!p0 $0x100000, s0;
	[bflag:$0x2] =	sbarrier.arrive $0xFFFF  }
0x53: {  	[sflag:s0] =	ssyncadd.tile.s32 @!p0 $0x1;
	_ =	shalt  }
.Lfunc_end2:
_tile_overlayer_lowered:
.L_overlay_start_2:
0x54: {  	(tag) =	ssettag $0x2  }
0x55: {  	s0 =	rddreg [dreg:$0x0];
	s2 =	stileid.u32  }
0x56: {  	s1 =	rddreg [dreg:$0x1];
	p0 =	sne.s32 s2, $0x0  }
0x57: {  	s3 =	rddreg [dreg:$0x2];
	[bflag:$0x3] =	sbarrier.arrive $0xFFFF;
	s2 =	simm.s32 @!p0 $0x1C01  }
0x58: {  	[timem:s3], [sflag:s2] =	dma.local @!p0 [hbm:s0], s1  }
0x59: {  	s0 =	simm.s32 @!p0 $0x1  }
0x5a: {  	_ =	swait.ge @!p0 [sflag:s0], s1  }
0x5b: {  	s1 =	ssub.s32 @!p0 $0x0, s1;
	[sflag:s0] =	ssyncset.done @!p0 $0x0  }
0x5c: {  	[sflag:s0] =	ssyncadd.s32 @!p0 s1  }
0x5d: {  	[bflag:$0x3] =	sbarrier.arrive $0xFFFF  }
0x5e: {  	_ =	shalt  }

// kernel: gather_offload_async_start
scs
__scs_entry_jumppad:
0x0: {  	(pc) =	sbr.rel $0x88, $3  }
0x1: {  	(tag) =	ssettag $0x0;
	lr =	simm.s32 $0x1  }
0x2: {  	[smem:$0x3F9E] =	sst lr;
	_ =	strace $0xD0000000  }
0x3: {  	_ = 	snop  }
0x4: {  	_ = 	snop  }
0x5: {  	_ = 	snop  }
0x6: {  	_ = 	snop  }
0x7: {  	_ = 	snop  }
__scs_overlays_trampoline_lowered:
0x8: {  	[smem:$0x3FAD] =	sst s0  }
0x9: {  	[smem:$0x3FAE] =	sst s1  }
0xa: {  	[smem:$0x3FAF] =	sst s2  }
0xb: {  	[smem:$0x3FB0] =	sst s3  }
0xc: {  	[smem:$0x3FB1] =	sst s4  }
0xd: {  	[smem:$0x3FB2] =	sst s5  }
0xe: {  	[smem:$0x3FB3] =	sst s6  }
0xf: {  	[smem:$0x3FB4] =	sst s7  }
0x10: {  	[smem:$0x3FB5] =	sst s8  }
0x11: {  	[smem:$0x3FB6] =	sst s9;
	s0 =	simm.s32 @!p0 $0x0  }
0x12: {  	s1 =	sld [smem:$0x3F9C];
	s0 =	simm.s32 @p0 $0x1  }
0x13: {  	[smem:$0x3FB7] =	sst s0;
	s0 =	simm.s32 @!p1 $0x0  }
0x14: {  	s2 =	sld [smem:$0x3F9B];
	s0 =	simm.s32 @p1 $0x1  }
0x15: {  	[smem:$0x3FB8] =	sst s0;
	s0 =	simm.s32 @!p2 $0x0  }
0x16: {  	s3 =	sld [smem:$0x3FDB];
	s0 =	simm.s32 @p2 $0x1  }
0x17: {  	s4 =	simm.s32 $0x1BF5;
	[smem:$0x3FBA] =	sst s0  }
0x18: {  	s0 =	sld [smem:$0x3F9D];
	_ =	swait.ge [sflag:s4], $0x0  }
0x19: {  	s7 =	sld [smem:$0x3F9E]  }
0x1a: {  	s8 =	sadd.s32 $0xFFFFE003, lr  }
0x1b: {  	s9 =	sadd.s32 $0xFFFFFEF7, lr;
	s5 =	simm.s32 $0xFFFFFFFF;
	p2 =	slt.u32 s8, $0xFFFFF086  }
0x1c: {  	p1 =	slt.u32 s9, $0xF7A;
	s5 =	simm.s32 @!p2 $0x0  }
0x1d: {  	s5 =	simm.s32 @p1 $0x1;
	p0 =	seq.s32 s7, s2  }
0x1e: {  	s7 =	smul.u32 @!p0 $0xF7A, s2;
	p2 =	seq.s32 @!p0 s5, $0x0  }
0x1f: {  	s9 =	smul.u32 $0xF7A, s1;
	s8 =	simm.s32 @!p0 $0x1BF5;
	p2 =	por !p2, p0  }
0x20: {  	[sflag:s8] =	ssyncset.s32 @!p0 $0xFFFFF086;
	s6 =	sadd.s32 @!p0 s3, s7;
	s7 =	simm.s32 @!p0 $0x108  }
0x21: {  	s3 =	sadd.s32 s3, s9;
	s6 =	sadd.s32 @!p0 $0x88, s6;
	s7 =	simm.s32 @p2 $0x1082  }
0x22: {  	[simem:s7], [sflag:s8] =	dma.local @!p0 [hbm:s6], $0xF7A  }
0x23: {  	s9 =	sor.u32 $0xD0000000, s2;
	s6 =	simm.s32 $0x108;
	_ =	swait.ge @!p0 [sflag:s8], $0x0  }
0x24: {  	s3 =	sadd.s32 $0x88, s3;
	s6 =	simm.s32 @!p1 $0x1082;
	[sflag:s4] =	ssyncset.s32 $0xFFFFF086  }
0x25: {  	[simem:s6], [sflag:s4] =	dma.local [hbm:s3], $0xF7A  }
0x26: {  	[smem:$0x3F9E] =	sst s1;
	(tag) =	ssettag s2;
	_ =	strace s9  }
0x27: {  	s1 =	sld [smem:$0x3FAE]  }
0x28: {  	s2 =	sld [smem:$0x3FAF]  }
0x29: {  	s4 =	sld [smem:$0x3FB1]  }
0x2a: {  	p0 =	seq.s32 s5, $0x0;
	s5 =	sld [smem:$0x3FB2]  }
0x2b: {  	s6 =	sld [smem:$0x3FB3]  }
0x2c: {  	s7 =	sld [smem:$0x3FB4]  }
0x2d: {  	s3 =	simm.s32 $0x108;
	s8 =	sld [smem:$0x3FB5]  }
0x2e: {  	s3 =	simm.s32 @!p0 $0x1082;
	s9 =	sld [smem:$0x3FB6]  }
0x2f: {  	lr =	sadd.s32 s0, s3;
	s0 =	sld [smem:$0x3FAD]  }
0x30: {  	s3 =	sld [smem:$0x3FB0]  }
0x31: {  	[smem:$0x3FB9] =	sst s10  }
0x32: {  	s10 =	sld [smem:$0x3FB7];
	_ =	sdelay $0x3  }
0x33: {  	p0 =	seq.s32 s10, $0x1;
	s10 =	sld [smem:$0x3FB9];
	_ =	sdelay $0x3  }
0x34: {  	[smem:$0x3FB9] =	sst s10  }
0x35: {  	s10 =	sld [smem:$0x3FB8];
	_ =	sdelay $0x3  }
0x36: {  	p1 =	seq.s32 s10, $0x1;
	s10 =	sld [smem:$0x3FB9];
	_ =	sdelay $0x3  }
0x37: {  	[smem:$0x3FB9] =	sst s10  }
0x38: {  	s10 =	sld [smem:$0x3FBA]  }
0x39: {  	_ = 	snop;
	(pc) =	sbr.ind lr, $3  }
0x3a: {  	_ = 	snop  }
0x3b: {  	_ = 	snop  }
0x3c: {  	p2 =	seq.s32 s10, $0x1;
	s10 =	sld [smem:$0x3FB9]  }
0x3d: {  	_ =	shalt  }
0x3e: {  	_ =	shalt  }
0x3f: {  	_ =	shalt  }
0x40: {  	_ =	shalt  }
0x41: {  	_ =	shalt  }
0x42: {  	_ =	shalt  }
0x43: {  	_ =	shalt  }
0x44: {  	_ =	shalt  }
0x45: {  	_ =	shalt  }
0x46: {  	_ =	shalt  }
0x47: {  	_ =	shalt  }
0x48: {  	_ =	shalt  }
0x49: {  	_ =	shalt  }
0x4a: {  	_ =	shalt  }
0x4b: {  	_ =	shalt  }
0x4c: {  	_ =	shalt  }
0x4d: {  	_ =	shalt  }
0x4e: {  	_ =	shalt  }
0x4f: {  	_ =	shalt  }
0x50: {  	_ =	shalt  }
0x51: {  	_ =	shalt  }
0x52: {  	_ =	shalt  }
0x53: {  	_ =	shalt  }
0x54: {  	_ =	shalt  }
0x55: {  	_ =	shalt  }
0x56: {  	_ =	shalt  }
0x57: {  	_ =	shalt  }
0x58: {  	_ =	shalt  }
0x59: {  	_ =	shalt  }
0x5a: {  	_ =	shalt  }
0x5b: {  	_ =	shalt  }
0x5c: {  	_ =	shalt  }
0x5d: {  	_ =	shalt  }
0x5e: {  	_ =	shalt  }
0x5f: {  	_ =	shalt  }
0x60: {  	_ =	shalt  }
0x61: {  	_ =	shalt  }
0x62: {  	_ =	shalt  }
0x63: {  	_ =	shalt  }
0x64: {  	_ =	shalt  }
0x65: {  	_ =	shalt  }
0x66: {  	_ =	shalt  }
0x67: {  	_ =	shalt  }
0x68: {  	_ =	shalt  }
0x69: {  	_ =	shalt  }
0x6a: {  	_ =	shalt  }
0x6b: {  	_ =	shalt  }
0x6c: {  	_ =	shalt  }
0x6d: {  	_ =	shalt  }
0x6e: {  	_ =	shalt  }
0x6f: {  	_ =	shalt  }
0x70: {  	_ =	shalt  }
0x71: {  	_ =	shalt  }
0x72: {  	_ =	shalt  }
0x73: {  	_ =	shalt  }
0x74: {  	_ =	shalt  }
0x75: {  	_ =	shalt  }
0x76: {  	_ =	shalt  }
0x77: {  	_ =	shalt  }
0x78: {  	_ =	shalt  }
0x79: {  	_ =	shalt  }
0x7a: {  	_ =	shalt  }
0x7b: {  	_ =	shalt  }
0x7c: {  	_ =	shalt  }
0x7d: {  	_ =	shalt  }
0x7e: {  	_ =	shalt  }
0x7f: {  	_ =	shalt  }
0x80: {  	_ =	shalt  }
0x81: {  	_ =	shalt  }
0x82: {  	_ =	shalt  }
0x83: {  	_ =	shalt  }
0x84: {  	_ =	shalt  }
0x85: {  	_ =	shalt  }
0x86: {  	_ =	shalt  }
0x87: {  	_ =	shalt  }
.Lfunc_end0:
.L_simem_size_0:
called_computation.1_lowered:
.L_overlay_start_0:
0x88: {  	s2 =	sld [smem:$0x3FD9]  }
0x89: {  	s3 =	sld [smem:$0x3FFE];
	_ =	sdelay $0x1  }
0x8a: {  	s1 =	srdreg.scid  }
0x8b: {  	s0 =	sand.u32 $0x1, s1  }
0x8c: {  	s15 =	sshll.u32 s0, $0xA;
	s2 =	sadd.s32 s3, s2  }
0x8d: {  	s2 =	sadd.s32 s2, s15  }
0x8e: {  	[smem:$0x3FC5] =	sst s2  }
0x8f: {  	_ = 	snop  }
0x90: {  	s2 =	sld [smem:$0x3FD0];
	_ =	sdelay $0x2  }
0x91: {  	s4 =	simm.s32 $0xB;
	s5 =	simm.s32 $0x10;
	s16 =	sld [smem:$0x3FC7]  }
0x92: {  	[smem:s5], [sflag:s4] =	dma.local [hbm:s2], $0x1  }
0x93: {  	_ =	swait.eq [sflag:s4], $0x1  }
0x94: {  	[sflag:s4] =	ssyncset.done $0x0  }
0x95: {  	s17 =	sld [smem:$0x10];
	[sflag:s4] =	ssyncadd.s32 $0xFFFFFFFF  }
0x96: {  	s18 =	sld [smem:$0x11];
	(tm) =	ssettm $0x1  }
0x97: {  	s19 =	sld [smem:$0x3FFB];
	_ =	sdelay $0x3  }
0x98: {  	_ =	strace s19  }
0x99: {  	s5 =	sld [smem:$0x3FFC];
	_ =	sdelay $0x3  }
0x9a: {  	_ =	strace s5  }
0x9b: {  	s5 =	sld [smem:$0x3FFD];
	_ =	sdelay $0x3  }
0x9c: {  	_ =	strace s5  }
0x9d: {  	_ =	strace $0x8FFFFFFF  }
0x9e: {  	s20 =	sld [smem:$0x3FDB];
	_ =	sdelay $0x1  }
0x9f: {  	s6 =	simm.s32 $_scs_section_size  }
0xa0: {  	s7 =	simm.s32 $_size__tile_overlayer_lowered;
	s8 =	simm.s32 $_tile_overlayer_lowered  }
0xa1: {  	s23 =	simm.s32 $0x1BFF;
	s22 =	sshll.u32 s8, $0x1;
	s5 =	sadd.s32 s6, s20  }
0xa2: {  	s9 =	simm.s32 $0x0;
	s21 =	sshll.u32 s7, $0x1;
	s7 =	sadd.s32 s22, s5  }
0xa3: {  	[timem:s9], [sflag:s23] =	dma.local [hbm:s7], s21  }
0xa4: {  	_ =	swait.ge [sflag:s23], s21  }
0xa5: {  	s6 =	ssub.s32 $0x0, s21;
	[sflag:s23] =	ssyncset.done $0x0  }
0xa6: {  	[sflag:s23] =	ssyncadd.s32 s6;
	_ =	sdelay $0x1  }
0xa7: {  	s24 =	simm.s32 $0x1B8B  }
0xa8: {  	_ =	swait.ge [sflag:s24], $0x1  }
0xa9: {  	[sflag:s24] =	ssyncset.done $0x0  }
0xaa: {  	s25 =	simm.s32 $0x1B8E;
	[sflag:s24] =	ssyncadd.s32 $0xFFFFFFFF  }
0xab: {  	s26 =	simm.s32 $execute0_lowered;
	[smem:$0x3FD2] =	sst s25  }
0xac: {  	s6 =	sshll.u32 s26, $0x1;
	_ =	strace $0x80000046;
	[dreg:$0x1] =	wrdreg $0xFFFFFFFF  }
0xad: {  	s28 =	simm.s32 $_size_execute0_lowered;
	s5 =	sadd.s32 s5, s6;
	[dreg:$0x0] =	wrdreg $0x0  }
0xae: {  	s6 =	sshll.u32 s28, $0x1;
	[dreg:$0x2] =	wrdreg s5  }
0xaf: {  	[dreg:$0x3] =	wrdreg s6  }
0xb0: {  	[dreg:$0x4] =	wrdreg $0xC0  }
0xb1: {  	_ =	task [dreg:s9], $0x5FFFF  }
0xb2: {  	[dreg:$0x1] =	wrdreg $0xFFFFFFFF  }
0xb3: {  	[dreg:$0x0] =	wrdreg $0x60  }
0xb4: {  	[dreg:$0x2] =	wrdreg s16  }
0xb5: {  	[dreg:$0x3] =	wrdreg s18  }
0xb6: {  	[dreg:$0x4] =	wrdreg s17  }
0xb7: {  	[dreg:$0x5] =	wrdreg $0x9  }
0xb8: {  	_ =	task.clear_ibuf [dreg:s9], $0x6FFFF;
	_ =	strace $0x90000046  }
0xb9: {  	s29 =	simm.s32 $0x9;
	_ =	strace $0x80000048  }
0xba: {  	_ =	swait.ge [sflag:s29], $0x1  }
0xbb: {  	[sflag:s29] =	ssyncadd.s32 $0xFFFFFFFF  }
0xbc: {  	_ =	strace $0x90000048  }
0xbd: {  	_ =	sfence  }
0xbe: {  	s30 =	sld [smem:$0x0];
	_ =	sdelay $0x2  }
0xbf: {  	s31 =	sshll.u32 s1, $0xD;
	s1 =	sshrl.u32 s1, $0x2  }
0xc0: {  	s3 =	sand.u32 $0x4000, s31;
	s1 =	sadd.s32 s1, s30  }
0xc1: {  	s0 =	sor.u32 s3, s0;
	s1 =	sshll.u32 s1, $0x11  }
0xc2: {  	s0 =	sor.u32 s1, s0  }
0xc3: {  	s0 =	sadd.s32 $0x8F2B, s0  }
0xc4: {  	[sflag:s0] =	ssyncadd.remote.s32 $0x1  }
0xc5: {  	_ =	sfence.sel $0xFFFF  }
0xc6: {  	[dreg:$0x0] =	wrdreg $0xFFFFFFFF;
	(pc) =	sbr.abs _section_cstart, $3  }
0xc7: {  	[dreg:$0x1] =	wrdreg $0xFFFFFFFF  }
0xc8: {  	_ =	task.clear_ibuf [dreg:s9], $0x2FFFF;
	_ =	strace $0x9FFFFFFF  }
0xc9: {  	(tm) =	ssettm $0x7FFFFFFF  }
tec
execute0_lowered:
.L_overlay_start_1:
0x0: {  	(tag) =	ssettag $0x1  }
0x1: {  	s2 =	rddreg [dreg:$0x0]  }
0x2: {  	s3 =	rddreg [dreg:$0x1];
	s0 =	stileid.u32  }
0x3: {  	s1 =	srdreg.scid;
	s4 =	rddreg [dreg:$0x2];
	s9 =	simm.s32 $0x1  }
0x4: {  	s10 =	simm.s32 $0x3;
	s5 =	sand.u32 $0x1, s1;
	s6 =	sshll.u32 s0, $0x1  }
0x5: {  	s13 =	simm.s32 $0x0;
	s12 =	simm.s32 $0x0;
	s7 =	sor.u32 s6, s5  }
0x6: {  	s1 =	rddreg [dreg:$0x3];
	_ =	strace $0x80000047;
	s5 =	smul.u32 $0xA00, s7  }
0x7: {  	s6 =	simm.s32 $0x1;
	p0 =	slt.u32 s7, $0x9;
	s7 =	simm.s32 $0x14000  }
.Ltmp0:
0x8: {  	s7 =	simm.s32 @!p0 $0x0;
	s8 =	ssub.s32 $0x19000, s5;
	(pc) =	sbr.rel .LBB2_1-.Ltmp0, $4  }
0x9: {  	s9 =	simm.s32 @!p0 $0x0;
	p0 =	sne.s32 s8, s7;
	s8 =	simm.s32 $0x1  }
0xa: {  	[sflag:s6] =	ssyncpa.u1 $0x0;
	s7 =	simm.s32 $0x2;
	s8 =	simm.s32 @!p0 $0x0  }
0xb: {  	s11 =	smov.u32 s5;
	[sflag:s7] =	ssyncpa.u1 $0x0;
	s8 =	sadd.s32 s9, s8  }
0xc: {  	vm0 =	vmmov $0xffff;
	[sflag:s10] =	ssyncpa.u1 $0x0;
	s10 =	simm.s32 $0x0;
	s9 =	sadd.s32 $0x1, s8  }
.LBB2_4:
0xd: {  	v2 =	vnsel vm1, $0x0, v2  }
0xe: {  	vm1 =	vgt.s32 v0, $0x0;
	v2 =	vmin.u32 v2, $0x1869F  }
0xf: {  	v0 =	vnsel vm1, $0x0, v0  }
0x10: {  	v0 =	vmin.u32 v0, $0x1869F  }
0x11: {  	[tilespmem:s18], [sflag:$0x1] =	stream.indirect_vreg.gather [hbm4b:s2+s10], $0x1, v1, vm0, $0x4038;
	[tilespmem:$0x2800] =	vst v63  }
0x12: {  	(ifvalue) =	ssetifvalue $0x7FFFFFFF  }
0x13: {  	[tilespmem:s15], [sflag:$0x1] =	stream.indirect_vreg.gather [hbm4b:s2+s10], $0x1, v2, vm0, $0x4038;
	[tilespmem:$0x2800] =	vst v63  }
0x14: {  	s29 =	sadd.s32 $0x10, s15;
	(ifvalue) =	ssetifvalue $0x7FFFFFFF  }
0x15: {  	[tilespmem:s29], [sflag:$0x1] =	stream.indirect_vreg.gather [hbm4b:s2+s10], $0x1, v0, vm0, $0x4038;
	[tilespmem:$0x2800] =	vst v63  }
0x16: {  	_ =	swait.ge [sflag:s6], $0xA00  }
0x17: {  	s30 =	sshrl.u32 s13, $0x3;
	[sflag:s6] =	ssyncset.done $0x0  }
0x18: {  	s31 =	sand.u32 $0x7, s13;
	s15 =	sadd.s32 s4, s30;
	[sflag:s6] =	ssyncadd.s32 $0xFFFFF600  }
0x19: {  	[hbm4b:s15+s31] =	stream.linear.scatter [tilespmem:s14], [sflag:$0x3], $0xA00, $0x38;
	[tilespmem:$0x2800] =	vst v63  }
.LBB2_5:
0x1a: {  	s15 =	sadd.s32 $0x14000, s11  }
0x1b: {  	p1 =	sgt.s32 s15, $0x18FFF  }
0x1c: {  	s15 =	smov.u32 @p1 s5;
	p1 =	sne.s32 s12, s9  }
.Ltmp1:
0x1d: {  	p0 =	slt.u32 s12, $0x2;
	(pc) =	sbr.rel @!p1 .LBB2_6-.Ltmp1, $4  }
0x1e: {  	s14 =	simm.s32 @!p0 $0x3  }
0x1f: {  	_ =	swait.ge @!p0 [sflag:s14], $0xA00  }
0x20: {  	s16 =	sadd.s32 $0x1, s12;
	s13 =	smov.u32 s11;
	[sflag:s14] =	ssyncset.done @!p0 $0x0  }
0x21: {  	s12 =	smov.u32 s16;
	s11 =	smov.u32 s15;
	[sflag:s14] =	ssyncadd.s32 @!p0 $0xFFFFF600  }
.LBB2_1:
0x22: {  	p0 =	sge.u32 s12, s8  }
0x23: {  	s14 =	sxor.u32 @!p0 $0x1, s12  }
0x24: {  	s14 =	smul.u32 @!p0 $0x2800, s14  }
0x25: {  	s31 =	sadd.s32 $0xFFFFFFFF, s12;
	s15 =	sshrl.u32 @!p0 s11, $0x3  }
0x26: {  	s16 =	sand.u32 @!p0 $0x7, s11;
	s15 =	sadd.s32 @!p0 s3, s15;
	s14 =	sshra.s32 @!p0 s14, $0x2  }
0x27: {  	[tilespmem:s14], [sflag:$0x2] =	stream.linear.gather @!p0 [hbm4b:s15+s16], $0xA00, $0x38;
	[tilespmem:$0x2800] =	vst v63  }
0x28: {  	p0 =	sge.u32 s31, s8  }
.Ltmp2:
0x29: {  	_ = 	snop;
	(pc) =	sbr.rel @p0 .LBB2_5-.Ltmp2, $1  }
0x2a: {  	_ =	sdelay $0x3  }
0x2b: {  	s14 =	sand.u32 $0x1, s12  }
0x2c: {  	_ =	swait.ge [sflag:s7], $0xA00;
	p0 =	seq.s32 s14, $0x1;
	s14 =	simm.s32 $0xA00  }
0x2d: {  	[sflag:s7] =	ssyncset.done $0x0;
	s14 =	simm.s32 @!p0 $0x0  }
0x2e: {  	[sflag:s7] =	ssyncadd.s32 $0xFFFFF600;
	(ifvalue) =	ssetifvalue $0x7FFFFFFF;
	v0 =	vld.msk [tilespmem:s14+$0x0 ss:$0x1], $0xffff;
	_ =	sdelay $0x4  }
0x2f: {  	s15 =	sadd.s32 $0x10, s14;
	vm1 =	vgt.s32 v0, $0x0  }
0x30: {  	v2 =	vld.msk [tilespmem:s15+$0x0 ss:$0x1], $0xffff;
	v1 =	vnsel vm1, $0x0, v0  }
0x31: {  	v1 =	vmin.u32 v1, $0x1869F;
	_ =	sdelay $0x2  }
0x32: {  	s17 =	simm.s32 $0x20;
	s14 =	sor.u32 $0x1400, s14;
	s16 =	sadd.s32 $0x10, s15  }
0x33: {  	s15 =	sadd.s32 $0x10, s14;
	s18 =	smov.u32 s14;
	v0 =	vld.msk [tilespmem:s16+$0x0 ss:$0x1], $0xffff;
	vm1 =	vgt.s32 v2, $0x0;
	(ifvalue) =	ssetifvalue $0x7FFFFFFF  }
.LBB2_3:
0x34: {  	[tilespmem:s18], [sflag:$0x1] =	stream.indirect_vreg.gather [hbm4b:s2+s10], $0x1, v1, vm0, $0x4038;
	[tilespmem:$0x2800] =	vst v63  }
0x35: {  	s17 =	sadd.s32 $0x10, s17  }
0x36: {  	v2 =	vnsel vm1, $0x0, v2;
	p0 =	slt.u32 s17, $0x9F0  }
.Ltmp3:
0x37: {  	s18 =	smov.u32 s15;
	v1 =	vmin.u32 v2, $0x1869F;
	(pc) =	sbr.rel @p0 .LBB2_3-.Ltmp3, $3  }
0x38: {  	_ =	sdelay $0x1  }
0x39: {  	s16 =	sadd.s32 $0x10, s16  }
0x3a: {  	vm1 =	vgt.s32 v0, $0x0;
	s15 =	sadd.s32 $0x10, s15;
	v2 =	vmov v0;
	(ifvalue) =	ssetifvalue $0x7FFFFFFF;
	v0 =	vld.msk [tilespmem:s16+$0x0 ss:$0x1], $0xffff  }
.Ltmp4:
0x3b: {  	_ = 	snop;
	(pc) =	sbr.rel .LBB2_4-.Ltmp4, $1  }
0x3c: {  	_ =	sdelay $0x3  }
.LBB2_6:
0x3d: {  	_ =	sfence.sel $0x180000  }
0x3e: {  	s2 =	simm.s32 $0x2;
	[bflag:$0x0] =	sbarrier.arrive $0xFFFF  }
0x3f: {  	s30 =	simm.s32 $0x3;
	[sflag:s2] =	ssyncpa.u1 $0x1  }
0x40: {  	s31 =	simm.s32 $0x1;
	[sflag:s30] =	ssyncpa.u1 $0x1  }
0x41: {  	[sflag:s31] =	ssyncpa.u1 $0x1  }
0x42: {  	p0 =	sne.s32 s0, $0x0;
	_ =	strace $0x90000047  }
0x43: {  	s0 =	sadd.s32 @!p0 $0x100000, s1;
	[bflag:$0x2] =	sbarrier.arrive $0xFFFF  }
0x44: {  	[sflag:s0] =	ssyncadd.tile.s32 @!p0 $0x1;
	_ =	shalt  }
.Lfunc_end2:
_tile_overlayer_lowered:
.L_overlay_start_2:
0x45: {  	(tag) =	ssettag $0x2  }
0x46: {  	s0 =	rddreg [dreg:$0x0];
	s2 =	stileid.u32  }
0x47: {  	s1 =	rddreg [dreg:$0x1];
	p0 =	sne.s32 s2, $0x0  }
0x48: {  	s3 =	rddreg [dreg:$0x2];
	[bflag:$0x3] =	sbarrier.arrive $0xFFFF;
	s2 =	simm.s32 @!p0 $0x1C01  }
0x49: {  	[timem:s3], [sflag:s2] =	dma.local @!p0 [hbm:s0], s1  }
0x4a: {  	s0 =	simm.s32 @!p0 $0x1  }
0x4b: {  	_ =	swait.ge @!p0 [sflag:s0], s1  }
0x4c: {  	s1 =	ssub.s32 @!p0 $0x0, s1;
	[sflag:s0] =	ssyncset.done @!p0 $0x0  }
0x4d: {  	[sflag:s0] =	ssyncadd.s32 @!p0 s1  }
0x4e: {  	[bflag:$0x3] =	sbarrier.arrive $0xFFFF  }
0x4f: {  	_ =	shalt  }

// kernel: sparse-core-data-format-call.cloned.1.call-start
scs
called_computation_lowered:
.L_overlay_start_0:
0x0: {  	s2 =	sld [smem:$0x3FD9]  }
0x1: {  	s3 =	sld [smem:$0x3FFE];
	_ =	sdelay $0x1  }
0x2: {  	s1 =	srdreg.scid  }
0x3: {  	s0 =	sand.u32 $0x1, s1  }
0x4: {  	s15 =	sshll.u32 s0, $0xA;
	s2 =	sadd.s32 s3, s2  }
0x5: {  	s2 =	sadd.s32 s2, s15  }
0x6: {  	[smem:$0x3FC5] =	sst s2  }
0x7: {  	_ = 	snop  }
0x8: {  	s2 =	sld [smem:$0x3FD0];
	_ =	sdelay $0x2  }
0x9: {  	s16 =	simm.s32 $0xB;
	s4 =	simm.s32 $0x10  }
0xa: {  	[smem:s4], [sflag:s16] =	dma.local [hbm:s2], $0x1  }
0xb: {  	_ =	swait.eq [sflag:s16], $0x1  }
0xc: {  	[sflag:s16] =	ssyncset.done $0x0  }
0xd: {  	[sflag:s16] =	ssyncadd.s32 $0xFFFFFFFF  }
0xe: {  	s17 =	sld [smem:$0x12];
	(tm) =	ssettm $0x1  }
0xf: {  	s18 =	sld [smem:$0x3FFB];
	_ =	sdelay $0x3  }
0x10: {  	_ =	strace s18  }
0x11: {  	s3 =	sld [smem:$0x3FFC];
	_ =	sdelay $0x3  }
0x12: {  	_ =	strace s3  }
0x13: {  	s3 =	sld [smem:$0x3FFD];
	_ =	sdelay $0x3  }
0x14: {  	_ =	strace s3  }
0x15: {  	_ =	strace $0x8FFFFFFF  }
0x16: {  	s19 =	sld [smem:$0x3FDB];
	_ =	sdelay $0x1  }
0x17: {  	s20 =	simm.s32 $_scs_section_size  }
0x18: {  	s5 =	simm.s32 $_size__tile_overlayer_lowered;
	s6 =	simm.s32 $_tile_overlayer_lowered  }
0x19: {  	s23 =	simm.s32 $0x1BFF;
	s22 =	sshll.u32 s6, $0x1;
	s3 =	sadd.s32 s20, s19  }
0x1a: {  	s7 =	simm.s32 $0x0;
	s21 =	sshll.u32 s5, $0x1;
	s5 =	sadd.s32 s22, s3  }
0x1b: {  	[timem:s7], [sflag:s23] =	dma.local [hbm:s5], s21  }
0x1c: {  	_ =	swait.ge [sflag:s23], s21  }
0x1d: {  	s4 =	ssub.s32 $0x0, s21;
	[sflag:s23] =	ssyncset.done $0x0  }
0x1e: {  	[sflag:s23] =	ssyncadd.s32 s4;
	_ =	sdelay $0x1  }
0x1f: {  	s24 =	simm.s32 $0x1B8B  }
0x20: {  	_ =	swait.ge [sflag:s24], $0x1  }
0x21: {  	[sflag:s24] =	ssyncset.done $0x0  }
0x22: {  	s26 =	simm.s32 $0x1B8E;
	s25 =	sld [smem:$0x3FFE];
	[sflag:s24] =	ssyncadd.s32 $0xFFFFFFFF  }
0x23: {  	s27 =	simm.s32 $execute0_lowered;
	[smem:$0x3FD2] =	sst s26  }
0x24: {  	s5 =	sshll.u32 s27, $0x1;
	_ =	strace $0x8000004C;
	[dreg:$0x1] =	wrdreg $0xFFFFFFFF  }
0x25: {  	s28 =	simm.s32 $_size_execute0_lowered;
	s3 =	sadd.s32 s3, s5;
	[dreg:$0x0] =	wrdreg $0x0  }
0x26: {  	s5 =	sshll.u32 s28, $0x1;
	[dreg:$0x2] =	wrdreg s3  }
0x27: {  	[dreg:$0x3] =	wrdreg s5  }
0x28: {  	[dreg:$0x4] =	wrdreg $0xC0  }
0x29: {  	_ =	task [dreg:s7], $0x5FFFF  }
0x2a: {  	[dreg:$0x1] =	wrdreg $0xFFFFFFFF  }
0x2b: {  	[dreg:$0x0] =	wrdreg $0x60  }
0x2c: {  	[dreg:$0x2] =	wrdreg s25  }
0x2d: {  	[dreg:$0x3] =	wrdreg s17  }
0x2e: {  	[dreg:$0x4] =	wrdreg $0x9  }
0x2f: {  	_ =	task.clear_ibuf [dreg:s7], $0x5FFFF;
	_ =	strace $0x9000004C  }
0x30: {  	s29 =	simm.s32 $0x9;
	_ =	strace $0x8000004E  }
0x31: {  	_ =	swait.ge [sflag:s29], $0x1  }
0x32: {  	[sflag:s29] =	ssyncadd.s32 $0xFFFFFFFF  }
0x33: {  	_ =	strace $0x9000004E  }
0x34: {  	_ =	sfence  }
0x35: {  	s30 =	sld [smem:$0x0];
	_ =	sdelay $0x2  }
0x36: {  	s31 =	sshll.u32 s1, $0xD;
	s1 =	sshrl.u32 s1, $0x2  }
0x37: {  	s3 =	sand.u32 $0x4000, s31;
	s1 =	sadd.s32 s1, s30  }
0x38: {  	s0 =	sor.u32 s3, s0;
	s1 =	sshll.u32 s1, $0x11  }
0x39: {  	s0 =	sor.u32 s1, s0  }
0x3a: {  	s0 =	sadd.s32 $0x8F2B, s0  }
0x3b: {  	[sflag:s0] =	ssyncadd.remote.s32 $0x1  }
0x3c: {  	_ =	sfence.sel $0xFFFF  }
0x3d: {  	[dreg:$0x0] =	wrdreg $0xFFFFFFFF;
	(pc) =	sbr.abs _section_cstart, $3  }
0x3e: {  	[dreg:$0x1] =	wrdreg $0xFFFFFFFF  }
0x3f: {  	_ =	task.clear_ibuf [dreg:s7], $0x2FFFF;
	_ =	strace $0x9FFFFFFF  }
0x40: {  	(tm) =	ssettm $0x7FFFFFFF  }
0x41: {  	_ =	shalt  }
tec
execute0_lowered:
.L_overlay_start_1:
0x0: {  	(tag) =	ssettag $0x1  }
0x1: {  	s0 =	srdreg.scid  }
0x2: {  	s1 =	sshll.u32 s0, $0x4  }
0x3: {  	s0 =	stileid.u32;
	s1 =	sand.u32 $0x10, s1  }
0x4: {  	s6 =	rddreg [dreg:$0x0];
	s1 =	sor.u32 s0, s1  }
0x5: {  	s4 =	simm.s32 $0x1;
	s7 =	simm.s32 $0x2;
	s2 =	sshll.u32 s1, $0x5  }
0x6: {  	s14 =	simm.s32 $0x0;
	s8 =	simm.s32 $0x1000;
	s1 =	ssub.s32 $0x400, s2  }
0x7: {  	s9 =	simm.s32 $0x20000;
	s10 =	simm.s32 $0x0;
	s3 =	sand.u32 $0x3E0, s1  }
0x8: {  	s15 =	simm.s32 $0x0;
	s5 =	sshrl.u32 s1, $0xA;
	p0 =	sne.s32 s3, $0x0  }
.Ltmp0:
0x9: {  	s1 =	rddreg [dreg:$0x2];
	s4 =	simm.s32 @!p0 $0x0;
	(pc) =	sbr.rel .LBB1_1-.Ltmp0, $4  }
0xa: {  	s11 =	simm.s32 $0x0;
	s3 =	rddreg [dreg:$0x1];
	s5 =	sadd.s32 s4, s5  }
0xb: {  	_ =	strace $0x8000004D;
	s4 =	simm.s32 $0x1;
	s5 =	smul.u32 $0x19, s5  }
0xc: {  	s13 =	simm.s32 $0x0;
	s6 =	sadd.s32 $0x4000, s6;
	[sflag:s4] =	ssyncpa.u1 $0x0  }
0xd: {  	s12 =	smov.u32 s2;
	[sflag:s7] =	ssyncpa.u1 $0x0;
	s7 =	sadd.s32 $0x1, s5  }
.LBB1_7:
0xe: {  	s16 =	sadd.s32 $0x4, s11  }
0xf: {  	s14 =	sadd.s32 $0x400, s12;
	s18 =	smov.u32 s12;
	p1 =	sgt.s32 s16, $0x63  }
0x10: {  	s18 =	smov.u32 @p1 s14  }
0x11: {  	s16 =	simm.s32 @p1 $0x0;
	p1 =	sgt.s32 s18, $0x3FF  }
0x12: {  	s18 =	smov.u32 @p1 s2;
	p1 =	sne.s32 s13, s7  }
.Ltmp1:
0x13: {  	p0 =	slt.u32 s13, $0x2;
	(pc) =	sbr.rel @!p1 .LBB1_8-.Ltmp1, $4  }
0x14: {  	s17 =	simm.s32 @!p0 $0x2  }
0x15: {  	s15 =	smov.u32 s12;
	s10 =	sadd.s32 $0x4000, s10;
	_ =	swait.ge @!p0 [sflag:s17], $0x4000  }
0x16: {  	s14 =	smov.u32 s11;
	[sflag:s17] =	ssyncset.done @!p0 $0x0;
	s11 =	smov.u32 s16  }
0x17: {  	s13 =	sadd.s32 $0x1, s13;
	[sflag:s17] =	ssyncadd.s32 @!p0 $0xFFFFC000;
	s12 =	smov.u32 s18  }
.LBB1_1:
0x18: {  	p0 =	sge.u32 s13, s5  }
0x19: {  	s16 =	sand.u32 @!p0 $0x1FFFFFF, s11  }
0x1a: {  	s17 =	smulhi.u32 @!p0 $0x2762763, s16;
	_ =	sdelay $0x1  }
0x1b: {  	s17 =	smul.u32 @!p0 $0x68, s17  }
0x1c: {  	s18 =	sxor.u32 @!p0 $0xFFFFFFFF, s13;
	s19 =	smul.u32 @!p0 $0x680, s12  }
0x1d: {  	s31 =	sadd.s32 $0xFFFFFFFF, s13;
	s18 =	sshll.u32 @!p0 s18, $0xE;
	s16 =	ssub.s32 @!p0 s16, s17  }
0x1e: {  	s17 =	sand.u32 @!p0 $0x4000, s18;
	s18 =	sadd.s32 @!p0 s6, s19;
	s16 =	sshll.u32 @!p0 s16, $0x4  }
0x1f: {  	s19 =	simm.s32 @!p0 $0x3400;
	s16 =	sadd.s32 @!p0 s16, s18;
	s18 =	simm.s32 @!p0 $0x200  }
0x20: {  	[tilespmem:s17], [sflag:$0x1] =	stream.strided.gather @!p0 [hbm4b:s16+s18], $0x4000, s19, s18, $0x38;
	[tilespmem:$0x10000] =	vst v63  }
0x21: {  	p0 =	sge.u32 s31, s5  }
.Ltmp2:
0x22: {  	_ = 	snop;
	(pc) =	sbr.rel @p0 .LBB1_7-.Ltmp2, $1  }
0x23: {  	_ =	sdelay $0x3  }
0x24: {  	s17 =	sand.u32 $0x4000, s10  }
0x25: {  	_ =	swait.ge [sflag:s4], $0x4000;
	s19 =	sshll.u32 s13, $0xE;
	s16 =	sor.u32 $0x8040, s17  }
0x26: {  	s18 =	sor.u32 $0x40, s17;
	[sflag:s4] =	ssyncset.done $0x0;
	s31 =	sand.u32 $0x4000, s19  }
0x27: {  	s19 =	simm.s32 $0x0;
	[sflag:s4] =	ssyncadd.s32 $0xFFFFC000;
	s17 =	sor.u32 $0x8000, s31  }
.LBB1_3:
0x28: {  	v0 =	vmov s18;
	_ =	sdelay $0x3  }
0x29: {  	s21 =	simm.s32 $0x0  }
0x2a: {  	v6 =	vld.idx.msk [tilespmem:v0+s21+$0x30 ss:$0x1], $0xffff  }
0x2b: {  	v7 =	vld.idx.msk [tilespmem:v0+s21+$0xFFFFFFC0 ss:$0x1], $0xffff  }
0x2c: {  	v5 =	vld.idx.msk [tilespmem:v0+s21+$0xFFFFFFD0 ss:$0x1], $0xffff  }
0x2d: {  	v4 =	vld.idx.msk [tilespmem:v0+s21+$0xFFFFFFE0 ss:$0x1], $0xffff  }
0x2e: {  	v3 =	vld.idx.msk [tilespmem:v0+s21+$0xFFFFFFF0 ss:$0x1], $0xffff  }
0x2f: {  	v1 =	vld.idx.msk [tilespmem:v0+s21+$0x0 ss:$0x1], $0xffff  }
0x30: {  	v2 =	vld.idx.msk [tilespmem:v0+s21+$0x10 ss:$0x1], $0xffff;
	[tilespmem:s16+$0x30] =	vst v6  }
0x31: {  	s20 =	simm.s32 $0x80;
	s22 =	simm.s32 $0x400;
	[tilespmem:s16+$0xFFFFFFC0] =	vst v7;
	v6 =	vld.idx.msk [tilespmem:v0+s21+$0x20 ss:$0x1], $0xffff;
	s21 =	smov.u32 s16  }
.LBB1_4:
0x32: {  	p0 =	sne.s32 s22, $0x600;
	v7 =	vld.idx.msk [tilespmem:v0+s20+$0x30 ss:$0x1], $0xffff;
	[tilespmem:s21+$0xFFFFFFD0] =	vst v5  }
0x33: {  	v8 =	vld.idx.msk [tilespmem:v0+s20+$0xFFFFFFC0 ss:$0x1], $0xffff;
	[tilespmem:s21+$0xFFFFFFE0] =	vst v4  }
0x34: {  	v5 =	vld.idx.msk [tilespmem:v0+s20+$0xFFFFFFD0 ss:$0x1], $0xffff;
	[tilespmem:s21+$0xFFFFFFF0] =	vst v3  }
.Ltmp3:
0x35: {  	v4 =	vld.idx.msk [tilespmem:v0+s20+$0xFFFFFFE0 ss:$0x1], $0xffff;
	[tilespmem:s21+$0x0] =	vst v1;
	(pc) =	sbr.rel @p0 .LBB1_4-.Ltmp3, $4  }
0x36: {  	v3 =	vld.idx.msk [tilespmem:v0+s20+$0xFFFFFFF0 ss:$0x1], $0xffff;
	[tilespmem:s21+$0x10] =	vst v2  }
0x37: {  	v1 =	vld.idx.msk [tilespmem:v0+s20+$0x0 ss:$0x1], $0xffff;
	[tilespmem:s21+$0x20] =	vst v6;
	s21 =	sadd.s32 $0x1000, s21  }
0x38: {  	v2 =	vld.idx.msk [tilespmem:v0+s20+$0x10 ss:$0x1], $0xffff;
	[tilespmem:s21+$0x30] =	vst v7  }
0x39: {  	[tilespmem:s21+$0xFFFFFFC0] =	vst v8;
	v6 =	vld.idx.msk [tilespmem:v0+s20+$0x20 ss:$0x1], $0xffff;
	s20 =	sshra.s32 s22, $0x2;
	s22 =	sadd.s32 $0x200, s22  }
0x3a: {  	_ =	sdelay $0x2  }
0x3b: {  	[tilespmem:s21+$0xFFFFFFD0] =	vst v5  }
0x3c: {  	v56 =	vld.idx.msk [tilespmem:v0+s20+$0x30 ss:$0x1], $0xffff;
	[tilespmem:s21+$0xFFFFFFE0] =	vst v4  }
0x3d: {  	v57 =	vld.idx.msk [tilespmem:v0+s20+$0xFFFFFFC0 ss:$0x1], $0xffff;
	[tilespmem:s21+$0xFFFFFFF0] =	vst v3  }
0x3e: {  	v58 =	vld.idx.msk [tilespmem:v0+s20+$0xFFFFFFD0 ss:$0x1], $0xffff;
	[tilespmem:s21+$0x0] =	vst v1  }
0x3f: {  	v59 =	vld.idx.msk [tilespmem:v0+s20+$0xFFFFFFE0 ss:$0x1], $0xffff;
	[tilespmem:s21+$0x10] =	vst v2  }
0x40: {  	v60 =	vld.idx.msk [tilespmem:v0+s20+$0xFFFFFFF0 ss:$0x1], $0xffff;
	s31 =	sadd.s32 $0x1000, s21;
	[tilespmem:s21+$0x20] =	vst v6  }
0x41: {  	v61 =	vld.idx.msk [tilespmem:v0+s20+$0x0 ss:$0x1], $0xffff;
	[tilespmem:s31+$0x30] =	vst v56  }
0x42: {  	v62 =	vld.idx.msk [tilespmem:v0+s20+$0x10 ss:$0x1], $0xffff;
	s19 =	sadd.s32 $0x1, s19;
	[tilespmem:s31+$0xFFFFFFC0] =	vst v57  }
0x43: {  	v63 =	vld.idx.msk [tilespmem:v0+s20+$0x20 ss:$0x1], $0xffff;
	p0 =	sne.s32 s19, $0x20;
	[tilespmem:s31+$0xFFFFFFD0] =	vst v58  }
.Ltmp4:
0x44: {  	[tilespmem:s31+$0xFFFFFFE0] =	vst v59;
	(pc) =	sbr.rel @p0 .LBB1_3-.Ltmp4, $4  }
0x45: {  	[tilespmem:s31+$0xFFFFFFF0] =	vst v60  }
0x46: {  	[tilespmem:s31+$0x0] =	vst v61  }
0x47: {  	[tilespmem:s31+$0x10] =	vst v62  }
0x48: {  	s16 =	sadd.s32 $0x80, s16;
	s18 =	sadd.s32 $0x200, s18;
	[tilespmem:s31+$0x20] =	vst v63  }
.Ltmp5:
0x49: {  	s15 =	sshll.u32 s15, $0x4;
	(pc) =	sbr.rel .LBB1_7-.Ltmp5, $4  }
0x4a: {  	s15 =	sand.u32 $0x3FF0, s15  }
0x4b: {  	s14 =	sshll.u32 s14, $0xE;
	s15 =	sadd.s32 s3, s15  }
0x4c: {  	s14 =	sadd.s32 s14, s15  }
0x4d: {  	[hbm4b:s14+s8] =	stream.strided.scatter [tilespmem:s17], [sflag:$0x2], $0x4000, s9, s8, $0x38;
	[tilespmem:$0x10000] =	vst v63  }
.LBB1_8:
0x4e: {  	_ =	sfence.sel $0x180000  }
0x4f: {  	s2 =	simm.s32 $0x1;
	[bflag:$0x0] =	sbarrier.arrive $0xFFFF  }
0x50: {  	s31 =	simm.s32 $0x2;
	[sflag:s2] =	ssyncpa.u1 $0x1  }
0x51: {  	[sflag:s31] =	ssyncpa.u1 $0x1  }
0x52: {  	p0 =	sne.s32 s0, $0x0;
	_ =	strace $0x9000004D  }
0x53: {  	s0 =	sadd.s32 @!p0 $0x100000, s1;
	[bflag:$0x2] =	sbarrier.arrive $0xFFFF  }
0x54: {  	[sflag:s0] =	ssyncadd.tile.s32 @!p0 $0x1;
	_ =	shalt  }
.Lfunc_end1:
_tile_overlayer_lowered:
.L_overlay_start_2:
0x55: {  	(tag) =	ssettag $0x2  }
0x56: {  	s0 =	rddreg [dreg:$0x0];
	s2 =	stileid.u32  }
0x57: {  	s1 =	rddreg [dreg:$0x1];
	p0 =	sne.s32 s2, $0x0  }
0x58: {  	s3 =	rddreg [dreg:$0x2];
	[bflag:$0x3] =	sbarrier.arrive $0xFFFF;
	s2 =	simm.s32 @!p0 $0x1C01  }
0x59: {  	[timem:s3], [sflag:s2] =	dma.local @!p0 [hbm:s0], s1  }
0x5a: {  	s0 =	simm.s32 @!p0 $0x1  }
0x5b: {  	_ =	swait.ge @!p0 [sflag:s0], s1  }
0x5c: {  	s1 =	ssub.s32 @!p0 $0x0, s1;
	[sflag:s0] =	ssyncset.done @!p0 $0x0  }
0x5d: {  	[sflag:s0] =	ssyncadd.s32 @!p0 s1  }
0x5e: {  	[bflag:$0x3] =	sbarrier.arrive $0xFFFF  }
0x5f: {  	_ =	shalt  }

</sc_bundles>
